<compile_context>
chip_gen: v7x
topology: tpu7x:2x2x1
jax: 0.10.2.dev20260603
libtpu: 0.0.44.dev20260713+nightly
codegen_flags: <defaults>
</compile_context>

<pallas_src>
import jax
import jax.numpy as jnp
from jax import lax
from jax.experimental import pallas as pl
from jax.experimental.pallas import tpu as pltpu
from jax.experimental.pallas import tpu_sc as plsc

B = 4096
F = 26
V = 100000
D = 32
ND = 13
NDP = 16
H1 = 128
H2 = 128

NC = 2
NS = 16
NW = NC * NS
BPW = B // NW
CHUNK = 128
CPW = BPW * F // CHUNK
NROW = B * F // CHUNK


def _sc_gather_body(idx_hbm, emb_hbm, lin_hbm, emb_out, lin_out,
                    idx_v, rows_v, lin_v, sem_e, sem_l):
    wid = lax.axis_index("s") * NC + lax.axis_index("c")
    row0 = wid * CPW
    pltpu.sync_copy(idx_hbm.at[pl.ds(row0, CPW)], idx_v)

    def fire(j, carry):
        pltpu.async_copy(emb_hbm.at[idx_v.at[j]], rows_v.at[j], sem_e)
        pltpu.async_copy(lin_hbm.at[idx_v.at[j]], lin_v.at[j], sem_l)
        return carry

    lax.fori_loop(0, CPW, fire, 0)

    def drain(j, carry):
        pltpu.make_async_copy(emb_hbm.at[idx_v.at[j]], rows_v.at[j], sem_e).wait()
        pltpu.make_async_copy(lin_hbm.at[idx_v.at[j]], lin_v.at[j], sem_l).wait()
        return carry

    lax.fori_loop(0, CPW, drain, 0)

    pltpu.sync_copy(rows_v, emb_out.at[pl.ds(row0, CPW)])
    pltpu.sync_copy(lin_v, lin_out.at[pl.ds(row0, CPW)])


def _build_sc_gather():
    return pl.kernel(
        _sc_gather_body,
        out_type=(jax.ShapeDtypeStruct((NROW, CHUNK, D), jnp.float32),
                  jax.ShapeDtypeStruct((NROW, CHUNK), jnp.float32)),
        mesh=plsc.VectorSubcoreMesh(core_axis_name="c", subcore_axis_name="s",
                                    num_cores=NC, num_subcores=NS),
        compiler_params=pltpu.CompilerParams(use_tc_tiling_on_sc=False),
        scratch_types=[
            pltpu.VMEM((CPW, CHUNK), jnp.int32),
            pltpu.VMEM((CPW, CHUNK, D), jnp.float32),
            pltpu.VMEM((CPW, CHUNK), jnp.float32),
            pltpu.SemaphoreType.DMA,
            pltpu.SemaphoreType.DMA,
        ],
    )


def _tc_body(g_ref, lin_ref, dense_ref, s_ref, w1e_ref, w1d_ref, w2_ref,
             wout_ref, wd_ref, out_ref):
    g = g_ref[...]
    dense = dense_ref[...]
    h = jnp.dot(g, w1e_ref[...], preferred_element_type=jnp.float32)
    h = h + jnp.dot(dense, w1d_ref[...], preferred_element_type=jnp.float32)
    h = jnp.maximum(h, 0.0)
    h = jnp.maximum(jnp.dot(h, w2_ref[...], preferred_element_type=jnp.float32), 0.0)
    dnn = jnp.dot(h, wout_ref[...], preferred_element_type=jnp.float32)
    sum_e = jnp.dot(g, s_ref[...], preferred_element_type=jnp.float32)
    fm = 0.5 * (jnp.sum(sum_e * sum_e, axis=1, keepdims=True)
                - jnp.sum(g * g, axis=1, keepdims=True))
    lin = (jnp.sum(lin_ref[...], axis=1, keepdims=True)
           + jnp.dot(dense, wd_ref[...], preferred_element_type=jnp.float32))
    z = lin + fm + dnn
    out_ref[...] = 1.0 / (1.0 + jnp.exp(-z))


BT = 512

_tc_call = pl.pallas_call(
    _tc_body,
    grid=(B // BT,),
    in_specs=[
        pl.BlockSpec((BT, F * D), lambda i: (i, 0)),
        pl.BlockSpec((BT, F), lambda i: (i, 0)),
        pl.BlockSpec((BT, NDP), lambda i: (i, 0)),
        pl.BlockSpec((F * D, D), lambda i: (0, 0)),
        pl.BlockSpec((F * D, H1), lambda i: (0, 0)),
        pl.BlockSpec((NDP, H1), lambda i: (0, 0)),
        pl.BlockSpec((H1, H2), lambda i: (0, 0)),
        pl.BlockSpec((H2, 1), lambda i: (0, 0)),
        pl.BlockSpec((NDP, 1), lambda i: (0, 0)),
    ],
    out_specs=pl.BlockSpec((BT, 1), lambda i: (i, 0)),
    out_shape=jax.ShapeDtypeStruct((B, 1), jnp.float32),
)


def kernel(sparse_indices, dense_features, emb_table, linear_table,
           w_dense, W1, W2, W_out):
    offsets = jnp.arange(F, dtype=jnp.int32) * V
    flat_idx = (sparse_indices.astype(jnp.int32) + offsets[None, :]).reshape(NROW, CHUNK)
    emb_rows, lin_rows = _build_sc_gather()(flat_idx, emb_table,
                                            linear_table.reshape(F * V))
    g = emb_rows.reshape(B, F * D)
    lin2d = lin_rows.reshape(B, F)
    dense_pad = jnp.pad(dense_features, ((0, 0), (0, NDP - ND)))
    w1e = W1[:F * D]
    w1d = jnp.pad(W1[F * D:], ((0, NDP - ND), (0, 0)))
    wd = jnp.pad(w_dense, ((0, NDP - ND), (0, 0)))
    s = jnp.tile(jnp.eye(D, dtype=jnp.float32), (F, 1))
    return _tc_call(g, lin2d, dense_pad, s, w1e, w1d, W2, W_out, wd)

# --- scband reference (transcript-rebuilt; emitter-appended) ---
"""Pipeline reference for scband-deep-fm-18562848653522 (READ-ONLY COPY).

The authoritative reference and input builder live on the scoring server;
editing this copy changes nothing except your own understanding.
"""

import jax, jax.numpy as jnp
import numpy as np

B = 4096
F = 26
V = 100000
D = 32
ND = 13
H1 = 128
H2 = 128


def setup_inputs(seed: int = 0) -> dict:
    key = jax.random.key(seed)
    ks = jax.random.split(key, 8)
    sparse_indices = jax.random.randint(ks[0], (B, F), 0, V)
    dense_features = jax.random.normal(ks[1], (B, ND), dtype=jnp.float32)
    emb_table = jax.random.normal(ks[2], (F * V, D), dtype=jnp.float32) * 0.01
    linear_table = jax.random.normal(ks[3], (F * V, 1), dtype=jnp.float32) * 0.01
    w_dense = jax.random.normal(ks[4], (ND, 1), dtype=jnp.float32) * 0.01
    W1 = jax.random.normal(ks[5], (F * D + ND, H1), dtype=jnp.float32) * 0.02
    W2 = jax.random.normal(ks[6], (H1, H2), dtype=jnp.float32) * 0.02
    W_out = jax.random.normal(ks[7], (H2, 1), dtype=jnp.float32) * 0.02
    return {
        'sparse_indices': sparse_indices,
        'dense_features': dense_features,
        'emb_table': emb_table,
        'linear_table': linear_table,
        'w_dense': w_dense,
        'W1': W1,
        'W2': W2,
        'W_out': W_out,
    }


def reference(sparse_indices, dense_features, emb_table, linear_table, w_dense, W1, W2, W_out):
    b, f = sparse_indices.shape
    # shared-table lookup with per-field offsets (DeepFM per-field embedding dict)
    offsets = jnp.arange(f, dtype=sparse_indices.dtype) * V
    flat_idx = (sparse_indices + offsets[None, :]).reshape(-1)
    # ---- Linear part (order-1): 1-dim embedding lookup + dense linear ----
    lin_sparse = jnp.take(linear_table, flat_idx, axis=0).reshape(b, f, 1).sum(axis=1)
    linear_logit = lin_sparse + dense_features @ w_dense
    # ---- FM part (order-2): sum-square trick over field embeddings ----
    emb = jnp.take(emb_table, flat_idx, axis=0).reshape(b, f, D)
    sum_e = jnp.sum(emb, axis=1)
    sum_sq = sum_e * sum_e
    sq_sum = jnp.sum(emb * emb, axis=1)
    fm_logit = 0.5 * jnp.sum(sum_sq - sq_sum, axis=1, keepdims=True)
    # ---- DNN part ----
    dnn_in = jnp.concatenate([emb.reshape(b, f * D), dense_features], axis=1)
    h = jax.nn.relu(dnn_in @ W1)
    h = jax.nn.relu(h @ W2)
    dnn_logit = h @ W_out
    logit = linear_logit + fm_logit + dnn_logit
    return jax.nn.sigmoid(logit)

if __name__ == "__main__":
    import jax
    _d = setup_inputs()
    print(jax.jit(kernel)(*tuple(_d.values())))

</pallas_src>

<mosaic_0001>
#map = affine_map<(d0, d1) -> (0, 0)>
#map1 = affine_map<(d0, d1) -> (0)>
#map2 = affine_map<(d0, d1) -> (0, 0, 0)>
module attributes {stable_mosaic.version = 14 : i64} {
  func.func @_sc_gather_body(%arg0: i32, %arg1: i32, %arg2: memref<832x128xi32, #tpu.memory_space<hbm>>, %arg3: memref<2600000x32xf32, #tpu.memory_space<hbm>>, %arg4: memref<2600000xf32, #tpu.memory_space<hbm>>, %arg5: memref<832x128x32xf32, #tpu.memory_space<hbm>>, %arg6: memref<832x128xf32, #tpu.memory_space<hbm>>, %arg7: memref<26x128xi32, #tpu.memory_space<vmem>>, %arg8: memref<26x128x32xf32, #tpu.memory_space<vmem>>, %arg9: memref<26x128xf32, #tpu.memory_space<vmem>>, %arg10: memref<!tpu.dma_semaphore, #tpu.memory_space<semaphore_mem>>, %arg11: memref<!tpu.dma_semaphore, #tpu.memory_space<semaphore_mem>>) attributes {dimension_semantics = [#tpu.dimension_semantics<core_parallel>, #tpu.dimension_semantics<subcore_parallel>], iteration_bounds = array<i64: 2, 16>, scalar_prefetch = 0 : i64, scratch_operands = 5 : i64, tpu.core_type = #tpu.core_type<sc_vector_subcore>, window_params = [{transform_indices = #map}, {transform_indices = #map}, {transform_indices = #map1}, {transform_indices = #map2}, {transform_indices = #map}]} {
    %mul3A = arith.constant 2 : i32
    %mul3A_0 = arith.muli %arg1, %mul3A : i32
    %add3A = arith.addi %mul3A_0, %arg0 : i32
    %mul3A_1 = arith.constant 26 : i32
    %mul3A_2 = arith.muli %add3A, %mul3A_1 : i32
    "tpu.region"() ({
      %run_scoped3A = tpu.sem_alloc : memref<!tpu.dma_semaphore, #tpu.memory_space<semaphore_mem>>
      %dma_start3A = arith.constant 0 : i32
      %dma_start3A_14 = tpu.memref_slice %arg2[%mul3A_2, %dma_start3A] : memref<832x128xi32, #tpu.memory_space<hbm>> -> memref<26x128xi32, #tpu.memory_space<hbm>>
      %dma_start3A_15 = arith.constant 0 : i32
      %dma_start3A_16 = tpu.memref_slice %arg2[%mul3A_2, %dma_start3A_15] : memref<832x128xi32, #tpu.memory_space<hbm>> -> memref<26x128xi32, #tpu.memory_space<hbm>>
      tpu.enqueue_dma source(%dma_start3A_16 : memref<26x128xi32, #tpu.memory_space<hbm>>) target(%arg7 : memref<26x128xi32, #tpu.memory_space<vmem>>) target_semaphore(%run_scoped3A : memref<!tpu.dma_semaphore, #tpu.memory_space<semaphore_mem>>)
      %dma_wait3A = arith.constant 0 : i32
      %dma_wait3A_17 = tpu.memref_slice %arg2[%mul3A_2, %dma_wait3A] : memref<832x128xi32, #tpu.memory_space<hbm>> -> memref<26x128xi32, #tpu.memory_space<hbm>>
      %dma_wait3A_18 = arith.constant 0 : i32
      %dma_wait3A_19 = tpu.memref_slice %arg2[%mul3A_2, %dma_wait3A_18] : memref<832x128xi32, #tpu.memory_space<hbm>> -> memref<26x128xi32, #tpu.memory_space<hbm>>
      tpu.wait_dma2 semaphore(%run_scoped3A : memref<!tpu.dma_semaphore, #tpu.memory_space<semaphore_mem>>) src(%dma_wait3A_19 : memref<26x128xi32, #tpu.memory_space<hbm>>) dst(%arg7 : memref<26x128xi32, #tpu.memory_space<vmem>>)
      tpu.yield
    }) : () -> ()
    %scan3A = arith.constant 0 : i32
    %scan3A_3 = arith.constant 0 : i32
    %scan3A_4 = arith.constant 26 : i32
    %scan3A_5 = arith.addi %scan3A_3, %scan3A_4 : i32
    %scan3A_6 = arith.constant 1 : i32
    scf.for %scan3A_14 = %scan3A_3 to %scan3A_5 step %scan3A_6  : i32 {
      %dma_start3A = arith.constant 0 : i32
      %dma_start3A_15 = arith.constant 0 : i32
      %dma_start3A_16 = tpu.memref_slice %arg8[%scan3A_14, %dma_start3A, %dma_start3A_15] : memref<26x128x32xf32, #tpu.memory_space<vmem>> -> memref<1x128x32xf32, #tpu.memory_space<vmem>>
      %dma_start3A_17 = tpu.memref_squeeze %dma_start3A_16 : memref<1x128x32xf32, #tpu.memory_space<vmem>> -> memref<128x32xf32, #tpu.memory_space<vmem>>
      %dma_start3A_18 = arith.constant 0 : i32
      %dma_start3A_19 = tpu.memref_slice %arg7[%scan3A_14, %dma_start3A_18] : memref<26x128xi32, #tpu.memory_space<vmem>> -> memref<1x128xi32, #tpu.memory_space<vmem>>
      %dma_start3A_20 = tpu.memref_squeeze %dma_start3A_19 : memref<1x128xi32, #tpu.memory_space<vmem>> -> memref<128xi32, #tpu.memory_space<vmem>>
      %dma_start3A_21 = arith.constant 0 : i32
      %dma_start3A_22 = arith.constant 0 : i32
      %dma_start3A_23 = tpu.memref_slice %arg3[%dma_start3A_21, %dma_start3A_22] : memref<2600000x32xf32, #tpu.memory_space<hbm>> -> memref<2600000x32xf32, #tpu.memory_space<hbm>>
      tpu.enqueue_indirect_dma source(%dma_start3A_23 : memref<2600000x32xf32, #tpu.memory_space<hbm>>) target(%dma_start3A_17 : memref<128x32xf32, #tpu.memory_space<vmem>>) offsets(%dma_start3A_20 : memref<128xi32, #tpu.memory_space<vmem>>) semaphore(%arg10 : memref<!tpu.dma_semaphore, #tpu.memory_space<semaphore_mem>>)
      %dma_start3A_24 = arith.constant 0 : i32
      %dma_start3A_25 = tpu.memref_slice %arg9[%scan3A_14, %dma_start3A_24] : memref<26x128xf32, #tpu.memory_space<vmem>> -> memref<1x128xf32, #tpu.memory_space<vmem>>
      %dma_start3A_26 = tpu.memref_squeeze %dma_start3A_25 : memref<1x128xf32, #tpu.memory_space<vmem>> -> memref<128xf32, #tpu.memory_space<vmem>>
      %dma_start3A_27 = arith.constant 0 : i32
      %dma_start3A_28 = tpu.memref_slice %arg7[%scan3A_14, %dma_start3A_27] : memref<26x128xi32, #tpu.memory_space<vmem>> -> memref<1x128xi32, #tpu.memory_space<vmem>>
      %dma_start3A_29 = tpu.memref_squeeze %dma_start3A_28 : memref<1x128xi32, #tpu.memory_space<vmem>> -> memref<128xi32, #tpu.memory_space<vmem>>
      %dma_start3A_30 = arith.constant 0 : i32
      %dma_start3A_31 = tpu.memref_slice %arg4[%dma_start3A_30] : memref<2600000xf32, #tpu.memory_space<hbm>> -> memref<2600000xf32, #tpu.memory_space<hbm>>
      tpu.enqueue_indirect_dma source(%dma_start3A_31 : memref<2600000xf32, #tpu.memory_space<hbm>>) target(%dma_start3A_26 : memref<128xf32, #tpu.memory_space<vmem>>) offsets(%dma_start3A_29 : memref<128xi32, #tpu.memory_space<vmem>>) semaphore(%arg11 : memref<!tpu.dma_semaphore, #tpu.memory_space<semaphore_mem>>)
    }
    %scan3A_7 = arith.constant 26 : i32
    %scan3A_8 = arith.constant 0 : i32
    %scan3A_9 = arith.constant 0 : i32
    %scan3A_10 = arith.constant 26 : i32
    %scan3A_11 = arith.addi %scan3A_9, %scan3A_10 : i32
    %scan3A_12 = arith.constant 1 : i32
    scf.for %scan3A_14 = %scan3A_9 to %scan3A_11 step %scan3A_12  : i32 {
      %dma_wait3A = arith.constant 0 : i32
      %dma_wait3A_15 = arith.constant 0 : i32
      %dma_wait3A_16 = tpu.memref_slice %arg8[%scan3A_14, %dma_wait3A, %dma_wait3A_15] : memref<26x128x32xf32, #tpu.memory_space<vmem>> -> memref<1x128x32xf32, #tpu.memory_space<vmem>>
      %dma_wait3A_17 = tpu.memref_squeeze %dma_wait3A_16 : memref<1x128x32xf32, #tpu.memory_space<vmem>> -> memref<128x32xf32, #tpu.memory_space<vmem>>
      %dma_wait3A_18 = arith.constant 0 : i32
      %dma_wait3A_19 = tpu.memref_slice %arg7[%scan3A_14, %dma_wait3A_18] : memref<26x128xi32, #tpu.memory_space<vmem>> -> memref<1x128xi32, #tpu.memory_space<vmem>>
      %dma_wait3A_20 = tpu.memref_squeeze %dma_wait3A_19 : memref<1x128xi32, #tpu.memory_space<vmem>> -> memref<128xi32, #tpu.memory_space<vmem>>
      %dma_wait3A_21 = arith.constant 0 : i32
      %dma_wait3A_22 = arith.constant 0 : i32
      %dma_wait3A_23 = tpu.memref_slice %arg3[%dma_wait3A_21, %dma_wait3A_22] : memref<2600000x32xf32, #tpu.memory_space<hbm>> -> memref<2600000x32xf32, #tpu.memory_space<hbm>>
      tpu.wait_indirect_dma semaphore(%arg10 : memref<!tpu.dma_semaphore, #tpu.memory_space<semaphore_mem>>) src(%dma_wait3A_23 : memref<2600000x32xf32, #tpu.memory_space<hbm>>) dst(%dma_wait3A_17 : memref<128x32xf32, #tpu.memory_space<vmem>>)
      %dma_wait3A_24 = arith.constant 0 : i32
      %dma_wait3A_25 = tpu.memref_slice %arg9[%scan3A_14, %dma_wait3A_24] : memref<26x128xf32, #tpu.memory_space<vmem>> -> memref<1x128xf32, #tpu.memory_space<vmem>>
      %dma_wait3A_26 = tpu.memref_squeeze %dma_wait3A_25 : memref<1x128xf32, #tpu.memory_space<vmem>> -> memref<128xf32, #tpu.memory_space<vmem>>
      %dma_wait3A_27 = arith.constant 0 : i32
      %dma_wait3A_28 = tpu.memref_slice %arg7[%scan3A_14, %dma_wait3A_27] : memref<26x128xi32, #tpu.memory_space<vmem>> -> memref<1x128xi32, #tpu.memory_space<vmem>>
      %dma_wait3A_29 = tpu.memref_squeeze %dma_wait3A_28 : memref<1x128xi32, #tpu.memory_space<vmem>> -> memref<128xi32, #tpu.memory_space<vmem>>
      %dma_wait3A_30 = arith.constant 0 : i32
      %dma_wait3A_31 = tpu.memref_slice %arg4[%dma_wait3A_30] : memref<2600000xf32, #tpu.memory_space<hbm>> -> memref<2600000xf32, #tpu.memory_space<hbm>>
      tpu.wait_indirect_dma semaphore(%arg11 : memref<!tpu.dma_semaphore, #tpu.memory_space<semaphore_mem>>) src(%dma_wait3A_31 : memref<2600000xf32, #tpu.memory_space<hbm>>) dst(%dma_wait3A_26 : memref<128xf32, #tpu.memory_space<vmem>>)
    }
    %scan3A_13 = arith.constant 26 : i32
    "tpu.region"() ({
      %run_scoped3A = tpu.sem_alloc : memref<!tpu.dma_semaphore, #tpu.memory_space<semaphore_mem>>
      %dma_start3A = arith.constant 0 : i32
      %dma_start3A_14 = arith.constant 0 : i32
      %dma_start3A_15 = tpu.memref_slice %arg5[%mul3A_2, %dma_start3A, %dma_start3A_14] : memref<832x128x32xf32, #tpu.memory_space<hbm>> -> memref<26x128x32xf32, #tpu.memory_space<hbm>>
      %dma_start3A_16 = arith.constant 0 : i32
      %dma_start3A_17 = arith.constant 0 : i32
      %dma_start3A_18 = tpu.memref_slice %arg5[%mul3A_2, %dma_start3A_16, %dma_start3A_17] : memref<832x128x32xf32, #tpu.memory_space<hbm>> -> memref<26x128x32xf32, #tpu.memory_space<hbm>>
      tpu.enqueue_dma source(%arg8 : memref<26x128x32xf32, #tpu.memory_space<vmem>>) target(%dma_start3A_18 : memref<26x128x32xf32, #tpu.memory_space<hbm>>) target_semaphore(%run_scoped3A : memref<!tpu.dma_semaphore, #tpu.memory_space<semaphore_mem>>)
      %dma_wait3A = arith.constant 0 : i32
      %dma_wait3A_19 = arith.constant 0 : i32
      %dma_wait3A_20 = tpu.memref_slice %arg5[%mul3A_2, %dma_wait3A, %dma_wait3A_19] : memref<832x128x32xf32, #tpu.memory_space<hbm>> -> memref<26x128x32xf32, #tpu.memory_space<hbm>>
      %dma_wait3A_21 = arith.constant 0 : i32
      %dma_wait3A_22 = arith.constant 0 : i32
      %dma_wait3A_23 = tpu.memref_slice %arg5[%mul3A_2, %dma_wait3A_21, %dma_wait3A_22] : memref<832x128x32xf32, #tpu.memory_space<hbm>> -> memref<26x128x32xf32, #tpu.memory_space<hbm>>
      tpu.wait_dma2 semaphore(%run_scoped3A : memref<!tpu.dma_semaphore, #tpu.memory_space<semaphore_mem>>) src(%arg8 : memref<26x128x32xf32, #tpu.memory_space<vmem>>) dst(%dma_wait3A_23 : memref<26x128x32xf32, #tpu.memory_space<hbm>>)
      tpu.yield
    }) : () -> ()
    "tpu.region"() ({
      %run_scoped3A = tpu.sem_alloc : memref<!tpu.dma_semaphore, #tpu.memory_space<semaphore_mem>>
      %dma_start3A = arith.constant 0 : i32
      %dma_start3A_14 = tpu.memref_slice %arg6[%mul3A_2, %dma_start3A] : memref<832x128xf32, #tpu.memory_space<hbm>> -> memref<26x128xf32, #tpu.memory_space<hbm>>
      %dma_start3A_15 = arith.constant 0 : i32
      %dma_start3A_16 = tpu.memref_slice %arg6[%mul3A_2, %dma_start3A_15] : memref<832x128xf32, #tpu.memory_space<hbm>> -> memref<26x128xf32, #tpu.memory_space<hbm>>
      tpu.enqueue_dma source(%arg9 : memref<26x128xf32, #tpu.memory_space<vmem>>) target(%dma_start3A_16 : memref<26x128xf32, #tpu.memory_space<hbm>>) target_semaphore(%run_scoped3A : memref<!tpu.dma_semaphore, #tpu.memory_space<semaphore_mem>>)
      %dma_wait3A = arith.constant 0 : i32
      %dma_wait3A_17 = tpu.memref_slice %arg6[%mul3A_2, %dma_wait3A] : memref<832x128xf32, #tpu.memory_space<hbm>> -> memref<26x128xf32, #tpu.memory_space<hbm>>
      %dma_wait3A_18 = arith.constant 0 : i32
      %dma_wait3A_19 = tpu.memref_slice %arg6[%mul3A_2, %dma_wait3A_18] : memref<832x128xf32, #tpu.memory_space<hbm>> -> memref<26x128xf32, #tpu.memory_space<hbm>>
      tpu.wait_dma2 semaphore(%run_scoped3A : memref<!tpu.dma_semaphore, #tpu.memory_space<semaphore_mem>>) src(%arg9 : memref<26x128xf32, #tpu.memory_space<vmem>>) dst(%dma_wait3A_19 : memref<26x128xf32, #tpu.memory_space<hbm>>)
      tpu.yield
    }) : () -> ()
    return
  }
}

module attributes {stable_mosaic.version = 14 : i64} {
  func.func @_tc_body(%arg0: i32, %arg1: memref<512x832xf32, #tpu.memory_space<vmem>>, %arg2: memref<512x26xf32, #tpu.memory_space<vmem>>, %arg3: memref<512x16xf32, #tpu.memory_space<vmem>>, %arg4: memref<832x32xf32, #tpu.memory_space<vmem>>, %arg5: memref<832x128xf32, #tpu.memory_space<vmem>>, %arg6: memref<16x128xf32, #tpu.memory_space<vmem>>, %arg7: memref<128x128xf32, #tpu.memory_space<vmem>>, %arg8: memref<128x1xf32, #tpu.memory_space<vmem>>, %arg9: memref<16x1xf32, #tpu.memory_space<vmem>>, %arg10: memref<512x1xf32, #tpu.memory_space<vmem>>) attributes {dimension_semantics = [#tpu.dimension_semantics<arbitrary>], iteration_bounds = array<i64: 8>, scalar_prefetch = 0 : i64, scratch_operands = 0 : i64, tpu.core_type = #tpu.core_type<tc>, window_params = [{transform_indices = @transform_0, window_bounds = array<i64: 512, 832>}, {transform_indices = @transform_1, window_bounds = array<i64: 512, 26>}, {transform_indices = @transform_2, window_bounds = array<i64: 512, 16>}, {pipeline_mode = #tpu.pipeline_mode<synchronous>, transform_indices = @transform_3, window_bounds = array<i64: 832, 32>}, {pipeline_mode = #tpu.pipeline_mode<synchronous>, transform_indices = @transform_4, window_bounds = array<i64: 832, 128>}, {pipeline_mode = #tpu.pipeline_mode<synchronous>, transform_indices = @transform_5, window_bounds = array<i64: 16, 128>}, {pipeline_mode = #tpu.pipeline_mode<synchronous>, transform_indices = @transform_6, window_bounds = array<i64: 128, 128>}, {pipeline_mode = #tpu.pipeline_mode<synchronous>, transform_indices = @transform_7, window_bounds = array<i64: 128, 1>}, {pipeline_mode = #tpu.pipeline_mode<synchronous>, transform_indices = @transform_8, window_bounds = array<i64: 16, 1>}, {transform_indices = @transform_9, window_bounds = array<i64: 512, 1>}]} {
    %get3A = arith.constant 0 : index
    %get3A_0 = arith.constant 0 : index
    %get3A_1 = vector.load %arg1[%get3A, %get3A_0] : memref<512x832xf32, #tpu.memory_space<vmem>>, vector<512x832xf32>
    %get3A_2 = arith.constant 0 : index
    %get3A_3 = arith.constant 0 : index
    %get3A_4 = vector.load %arg3[%get3A_2, %get3A_3] : memref<512x16xf32, #tpu.memory_space<vmem>>, vector<512x16xf32>
    %get3A_5 = arith.constant 0 : index
    %get3A_6 = arith.constant 0 : index
    %get3A_7 = vector.load %arg5[%get3A_5, %get3A_6] : memref<832x128xf32, #tpu.memory_space<vmem>>, vector<832x128xf32>
    %dot_general3A = arith.constant dense<0.000000e+00> : vector<512x128xf32>
    %dot_general3A_8 = tpu.matmul %get3A_1, %get3A_7, %dot_general3A {dimension_numbers = #tpu.dot_dimension_numbers<[1], [0], [0], [1], [0, 0, 1, 1], [], []>, transpose_lhs_hint = false} : vector<512x832xf32>, vector<832x128xf32>, vector<512x128xf32> -> vector<512x128xf32>
    %get3A_9 = arith.constant 0 : index
    %get3A_10 = arith.constant 0 : index
    %get3A_11 = vector.load %arg6[%get3A_9, %get3A_10] : memref<16x128xf32, #tpu.memory_space<vmem>>, vector<16x128xf32>
    %dot_general3A_12 = arith.constant dense<0.000000e+00> : vector<512x128xf32>
    %dot_general3A_13 = tpu.matmul %get3A_4, %get3A_11, %dot_general3A_12 {dimension_numbers = #tpu.dot_dimension_numbers<[1], [0], [0], [1], [0, 0, 1, 1], [], []>, transpose_lhs_hint = false} : vector<512x16xf32>, vector<16x128xf32>, vector<512x128xf32> -> vector<512x128xf32>
    %add3A = arith.addf %dot_general3A_8, %dot_general3A_13 : vector<512x128xf32>
    %max3A = arith.constant 0.000000e+00 : f32
    %max3A_14 = vector.broadcast %max3A : f32 to vector<512x128xf32>
    %max3A_15 = arith.maximumf %add3A, %max3A_14 : vector<512x128xf32>
    %get3A_16 = arith.constant 0 : index
    %get3A_17 = arith.constant 0 : index
    %get3A_18 = vector.load %arg7[%get3A_16, %get3A_17] : memref<128x128xf32, #tpu.memory_space<vmem>>, vector<128x128xf32>
    %dot_general3A_19 = arith.constant dense<0.000000e+00> : vector<512x128xf32>
    %dot_general3A_20 = tpu.matmul %max3A_15, %get3A_18, %dot_general3A_19 {dimension_numbers = #tpu.dot_dimension_numbers<[1], [0], [0], [1], [0, 0, 1, 1], [], []>, transpose_lhs_hint = false} : vector<512x128xf32>, vector<128x128xf32>, vector<512x128xf32> -> vector<512x128xf32>
    %max3A_21 = arith.constant 0.000000e+00 : f32
    %max3A_22 = vector.broadcast %max3A_21 : f32 to vector<512x128xf32>
    %max3A_23 = arith.maximumf %dot_general3A_20, %max3A_22 : vector<512x128xf32>
    %get3A_24 = arith.constant 0 : index
    %get3A_25 = arith.constant 0 : index
    %get3A_26 = vector.load %arg8[%get3A_24, %get3A_25] : memref<128x1xf32, #tpu.memory_space<vmem>>, vector<128x1xf32>
    %dot_general3A_27 = arith.constant dense<0.000000e+00> : vector<512x1xf32>
    %dot_general3A_28 = tpu.matmul %max3A_23, %get3A_26, %dot_general3A_27 {dimension_numbers = #tpu.dot_dimension_numbers<[1], [0], [0], [1], [0, 0, 1, 1], [], []>, transpose_lhs_hint = false} : vector<512x128xf32>, vector<128x1xf32>, vector<512x1xf32> -> vector<512x1xf32>
    %get3A_29 = arith.constant 0 : index
    %get3A_30 = arith.constant 0 : index
    %get3A_31 = vector.load %arg4[%get3A_29, %get3A_30] : memref<832x32xf32, #tpu.memory_space<vmem>>, vector<832x32xf32>
    %dot_general3A_32 = arith.constant dense<0.000000e+00> : vector<512x32xf32>
    %dot_general3A_33 = tpu.matmul %get3A_1, %get3A_31, %dot_general3A_32 {dimension_numbers = #tpu.dot_dimension_numbers<[1], [0], [0], [1], [0, 0, 1, 1], [], []>, transpose_lhs_hint = false} : vector<512x832xf32>, vector<832x32xf32>, vector<512x32xf32> -> vector<512x32xf32>
    %mul3A = arith.mulf %dot_general3A_33, %dot_general3A_33 : vector<512x32xf32>
    %reduce_sum3A = arith.constant dense<0.000000e+00> : vector<512xf32>
    %reduce_sum3A_34 = vector.multi_reduction <add>, %mul3A, %reduce_sum3A [1] : vector<512x32xf32> to vector<512xf32>
    %broadcast_in_dim3A = vector.shape_cast %reduce_sum3A_34 : vector<512xf32> to vector<512x1xf32>
    %mul3A_35 = arith.mulf %get3A_1, %get3A_1 : vector<512x832xf32>
    %reduce_sum3A_36 = arith.constant dense<0.000000e+00> : vector<512xf32>
    %reduce_sum3A_37 = vector.multi_reduction <add>, %mul3A_35, %reduce_sum3A_36 [1] : vector<512x832xf32> to vector<512xf32>
    %broadcast_in_dim3A_38 = vector.shape_cast %reduce_sum3A_37 : vector<512xf32> to vector<512x1xf32>
    %sub3A = arith.subf %broadcast_in_dim3A, %broadcast_in_dim3A_38 : vector<512x1xf32>
    %mul3A_39 = arith.constant 5.000000e-01 : f32
    %mul3A_40 = vector.broadcast %mul3A_39 : f32 to vector<512x1xf32>
    %mul3A_41 = arith.mulf %mul3A_40, %sub3A : vector<512x1xf32>
    %get3A_42 = arith.constant 0 : index
    %get3A_43 = arith.constant 0 : index
    %get3A_44 = vector.load %arg2[%get3A_42, %get3A_43] : memref<512x26xf32, #tpu.memory_space<vmem>>, vector<512x26xf32>
    %reduce_sum3A_45 = arith.constant dense<0.000000e+00> : vector<512xf32>
    %reduce_sum3A_46 = vector.multi_reduction <add>, %get3A_44, %reduce_sum3A_45 [1] : vector<512x26xf32> to vector<512xf32>
    %broadcast_in_dim3A_47 = vector.shape_cast %reduce_sum3A_46 : vector<512xf32> to vector<512x1xf32>
    %get3A_48 = arith.constant 0 : index
    %get3A_49 = arith.constant 0 : index
    %get3A_50 = vector.load %arg9[%get3A_48, %get3A_49] : memref<16x1xf32, #tpu.memory_space<vmem>>, vector<16x1xf32>
    %dot_general3A_51 = arith.constant dense<0.000000e+00> : vector<512x1xf32>
    %dot_general3A_52 = tpu.matmul %get3A_4, %get3A_50, %dot_general3A_51 {dimension_numbers = #tpu.dot_dimension_numbers<[1], [0], [0], [1], [0, 0, 1, 1], [], []>, transpose_lhs_hint = false} : vector<512x16xf32>, vector<16x1xf32>, vector<512x1xf32> -> vector<512x1xf32>
    %add3A_53 = arith.addf %broadcast_in_dim3A_47, %dot_general3A_52 : vector<512x1xf32>
    %add3A_54 = arith.addf %add3A_53, %mul3A_41 : vector<512x1xf32>
    %add3A_55 = arith.addf %add3A_54, %dot_general3A_28 : vector<512x1xf32>
    %neg3A = arith.constant 0.000000e+00 : f32
    %neg3A_56 = vector.broadcast %neg3A : f32 to vector<512x1xf32>
    %neg3A_57 = arith.subf %neg3A_56, %add3A_55 : vector<512x1xf32>
    %exp3A = math.exp %neg3A_57 : vector<512x1xf32>
    %add3A_58 = arith.constant 1.000000e+00 : f32
    %add3A_59 = vector.broadcast %add3A_58 : f32 to vector<512x1xf32>
    %add3A_60 = arith.addf %add3A_59, %exp3A : vector<512x1xf32>
    %div3A = arith.constant 1.000000e+00 : f32
    %div3A_61 = vector.broadcast %div3A : f32 to vector<512x1xf32>
    %div3A_62 = arith.divf %div3A_61, %add3A_60 : vector<512x1xf32>
    %swap3A = arith.constant 0 : index
    %swap3A_63 = arith.constant 0 : index
    %swap3A_64 = vector.load %arg10[%swap3A, %swap3A_63] : memref<512x1xf32, #tpu.memory_space<vmem>>, vector<512x1xf32>
    tpu.vector_store %arg10[%swap3A, %swap3A_63], %div3A_62 {strides = array<i32>} : memref<512x1xf32, #tpu.memory_space<vmem>>, vector<512x1xf32>,
    return
  }
  func.func @transform_0(%arg0: i32) -> (i32, i32) {
    %c0_i32 = arith.constant 0 : i32
    %c0_i32_0 = arith.constant 0 : i32
    return %arg0, %c0_i32 : i32, i32
  }
  func.func @transform_1(%arg0: i32) -> (i32, i32) {
    %c0_i32 = arith.constant 0 : i32
    %c0_i32_0 = arith.constant 0 : i32
    return %arg0, %c0_i32 : i32, i32
  }
  func.func @transform_2(%arg0: i32) -> (i32, i32) {
    %c0_i32 = arith.constant 0 : i32
    %c0_i32_0 = arith.constant 0 : i32
    return %arg0, %c0_i32 : i32, i32
  }
  func.func @transform_3(%arg0: i32) -> (i32, i32) {
    %c0_i32 = arith.constant 0 : i32
    %c0_i32_0 = arith.constant 0 : i32
    %c0_i32_1 = arith.constant 0 : i32
    return %c0_i32, %c0_i32_0 : i32, i32
  }
  func.func @transform_4(%arg0: i32) -> (i32, i32) {
    %c0_i32 = arith.constant 0 : i32
    %c0_i32_0 = arith.constant 0 : i32
    %c0_i32_1 = arith.constant 0 : i32
    return %c0_i32, %c0_i32_0 : i32, i32
  }
  func.func @transform_5(%arg0: i32) -> (i32, i32) {
    %c0_i32 = arith.constant 0 : i32
    %c0_i32_0 = arith.constant 0 : i32
    %c0_i32_1 = arith.constant 0 : i32
    return %c0_i32, %c0_i32_0 : i32, i32
  }
  func.func @transform_6(%arg0: i32) -> (i32, i32) {
    %c0_i32 = arith.constant 0 : i32
    %c0_i32_0 = arith.constant 0 : i32
    %c0_i32_1 = arith.constant 0 : i32
    return %c0_i32, %c0_i32_0 : i32, i32
  }
  func.func @transform_7(%arg0: i32) -> (i32, i32) {
    %c0_i32 = arith.constant 0 : i32
    %c0_i32_0 = arith.constant 0 : i32
    %c0_i32_1 = arith.constant 0 : i32
    return %c0_i32, %c0_i32_0 : i32, i32
  }
  func.func @transform_8(%arg0: i32) -> (i32, i32) {
    %c0_i32 = arith.constant 0 : i32
    %c0_i32_0 = arith.constant 0 : i32
    %c0_i32_1 = arith.constant 0 : i32
    return %c0_i32, %c0_i32_0 : i32, i32
  }
  func.func @transform_9(%arg0: i32) -> (i32, i32) {
    %c0_i32 = arith.constant 0 : i32
    %c0_i32_0 = arith.constant 0 : i32
    return %arg0, %c0_i32 : i32, i32
  }
}

</mosaic_0001>

<sc_bundles>
// kernel: kernel.4.cloned.1.call-start
scs
__scs_entry_jumppad:
0x0: {  	(pc) =	sbr.rel $0x88, $3  }
0x1: {  	(tag) =	ssettag $0x0;
	lr =	simm.s32 $0x1  }
0x2: {  	[smem:$0x3F99] =	sst lr;
	_ =	strace $0xD0000000  }
0x3: {  	_ = 	snop  }
0x4: {  	_ = 	snop  }
0x5: {  	_ = 	snop  }
0x6: {  	_ = 	snop  }
0x7: {  	_ = 	snop  }
__scs_overlays_trampoline_lowered:
0x8: {  	[smem:$0x3FA8] =	sst s0  }
0x9: {  	[smem:$0x3FA9] =	sst s1  }
0xa: {  	[smem:$0x3FAA] =	sst s2  }
0xb: {  	[smem:$0x3FAB] =	sst s3  }
0xc: {  	[smem:$0x3FAC] =	sst s4  }
0xd: {  	[smem:$0x3FAD] =	sst s5  }
0xe: {  	[smem:$0x3FAE] =	sst s6  }
0xf: {  	[smem:$0x3FAF] =	sst s7  }
0x10: {  	[smem:$0x3FB0] =	sst s8  }
0x11: {  	[smem:$0x3FB1] =	sst s9;
	s0 =	simm.s32 @!p0 $0x0  }
0x12: {  	s1 =	sld [smem:$0x3F97];
	s0 =	simm.s32 @p0 $0x1  }
0x13: {  	[smem:$0x3FB2] =	sst s0;
	s0 =	simm.s32 @!p1 $0x0  }
0x14: {  	s2 =	sld [smem:$0x3F96];
	s0 =	simm.s32 @p1 $0x1  }
0x15: {  	[smem:$0x3FB3] =	sst s0;
	s0 =	simm.s32 @!p2 $0x0  }
0x16: {  	s3 =	sld [smem:$0x3FDB];
	s0 =	simm.s32 @p2 $0x1  }
0x17: {  	s4 =	simm.s32 $0x1BF5;
	[smem:$0x3FB5] =	sst s0  }
0x18: {  	s0 =	sld [smem:$0x3F98];
	_ =	swait.ge [sflag:s4], $0x0  }
0x19: {  	s7 =	sld [smem:$0x3F99]  }
0x1a: {  	s8 =	sadd.s32 $0xFFFFE003, lr  }
0x1b: {  	s9 =	sadd.s32 $0xFFFFFEF7, lr;
	s5 =	simm.s32 $0xFFFFFFFF;
	p2 =	slt.u32 s8, $0xFFFFF086  }
0x1c: {  	p1 =	slt.u32 s9, $0xF7A;
	s5 =	simm.s32 @!p2 $0x0  }
0x1d: {  	s5 =	simm.s32 @p1 $0x1;
	p0 =	seq.s32 s7, s2  }
0x1e: {  	s7 =	smul.u32 @!p0 $0xF7A, s2;
	p2 =	seq.s32 @!p0 s5, $0x0  }
0x1f: {  	s9 =	smul.u32 $0xF7A, s1;
	s8 =	simm.s32 @!p0 $0x1BF5;
	p2 =	por !p2, p0  }
0x20: {  	[sflag:s8] =	ssyncset.s32 @!p0 $0xFFFFF086;
	s6 =	sadd.s32 @!p0 s3, s7;
	s7 =	simm.s32 @!p0 $0x108  }
0x21: {  	s3 =	sadd.s32 s3, s9;
	s6 =	sadd.s32 @!p0 $0x88, s6;
	s7 =	simm.s32 @p2 $0x1082  }
0x22: {  	[simem:s7], [sflag:s8] =	dma.local @!p0 [hbm:s6], $0xF7A  }
0x23: {  	s9 =	sor.u32 $0xD0000000, s2;
	s6 =	simm.s32 $0x108;
	_ =	swait.ge @!p0 [sflag:s8], $0x0  }
0x24: {  	s3 =	sadd.s32 $0x88, s3;
	s6 =	simm.s32 @!p1 $0x1082;
	[sflag:s4] =	ssyncset.s32 $0xFFFFF086  }
0x25: {  	[simem:s6], [sflag:s4] =	dma.local [hbm:s3], $0xF7A  }
0x26: {  	[smem:$0x3F99] =	sst s1;
	(tag) =	ssettag s2;
	_ =	strace s9  }
0x27: {  	s1 =	sld [smem:$0x3FA9]  }
0x28: {  	s2 =	sld [smem:$0x3FAA]  }
0x29: {  	s4 =	sld [smem:$0x3FAC]  }
0x2a: {  	p0 =	seq.s32 s5, $0x0;
	s5 =	sld [smem:$0x3FAD]  }
0x2b: {  	s6 =	sld [smem:$0x3FAE]  }
0x2c: {  	s7 =	sld [smem:$0x3FAF]  }
0x2d: {  	s3 =	simm.s32 $0x108;
	s8 =	sld [smem:$0x3FB0]  }
0x2e: {  	s3 =	simm.s32 @!p0 $0x1082;
	s9 =	sld [smem:$0x3FB1]  }
0x2f: {  	lr =	sadd.s32 s0, s3;
	s0 =	sld [smem:$0x3FA8]  }
0x30: {  	s3 =	sld [smem:$0x3FAB]  }
0x31: {  	[smem:$0x3FB4] =	sst s10  }
0x32: {  	s10 =	sld [smem:$0x3FB2];
	_ =	sdelay $0x3  }
0x33: {  	p0 =	seq.s32 s10, $0x1;
	s10 =	sld [smem:$0x3FB4];
	_ =	sdelay $0x3  }
0x34: {  	[smem:$0x3FB4] =	sst s10  }
0x35: {  	s10 =	sld [smem:$0x3FB3];
	_ =	sdelay $0x3  }
0x36: {  	p1 =	seq.s32 s10, $0x1;
	s10 =	sld [smem:$0x3FB4];
	_ =	sdelay $0x3  }
0x37: {  	[smem:$0x3FB4] =	sst s10  }
0x38: {  	s10 =	sld [smem:$0x3FB5]  }
0x39: {  	_ = 	snop;
	(pc) =	sbr.ind lr, $3  }
0x3a: {  	_ = 	snop  }
0x3b: {  	_ = 	snop  }
0x3c: {  	p2 =	seq.s32 s10, $0x1;
	s10 =	sld [smem:$0x3FB4]  }
0x3d: {  	_ =	shalt  }
0x3e: {  	_ =	shalt  }
0x3f: {  	_ =	shalt  }
0x40: {  	_ =	shalt  }
0x41: {  	_ =	shalt  }
0x42: {  	_ =	shalt  }
0x43: {  	_ =	shalt  }
0x44: {  	_ =	shalt  }
0x45: {  	_ =	shalt  }
0x46: {  	_ =	shalt  }
0x47: {  	_ =	shalt  }
0x48: {  	_ =	shalt  }
0x49: {  	_ =	shalt  }
0x4a: {  	_ =	shalt  }
0x4b: {  	_ =	shalt  }
0x4c: {  	_ =	shalt  }
0x4d: {  	_ =	shalt  }
0x4e: {  	_ =	shalt  }
0x4f: {  	_ =	shalt  }
0x50: {  	_ =	shalt  }
0x51: {  	_ =	shalt  }
0x52: {  	_ =	shalt  }
0x53: {  	_ =	shalt  }
0x54: {  	_ =	shalt  }
0x55: {  	_ =	shalt  }
0x56: {  	_ =	shalt  }
0x57: {  	_ =	shalt  }
0x58: {  	_ =	shalt  }
0x59: {  	_ =	shalt  }
0x5a: {  	_ =	shalt  }
0x5b: {  	_ =	shalt  }
0x5c: {  	_ =	shalt  }
0x5d: {  	_ =	shalt  }
0x5e: {  	_ =	shalt  }
0x5f: {  	_ =	shalt  }
0x60: {  	_ =	shalt  }
0x61: {  	_ =	shalt  }
0x62: {  	_ =	shalt  }
0x63: {  	_ =	shalt  }
0x64: {  	_ =	shalt  }
0x65: {  	_ =	shalt  }
0x66: {  	_ =	shalt  }
0x67: {  	_ =	shalt  }
0x68: {  	_ =	shalt  }
0x69: {  	_ =	shalt  }
0x6a: {  	_ =	shalt  }
0x6b: {  	_ =	shalt  }
0x6c: {  	_ =	shalt  }
0x6d: {  	_ =	shalt  }
0x6e: {  	_ =	shalt  }
0x6f: {  	_ =	shalt  }
0x70: {  	_ =	shalt  }
0x71: {  	_ =	shalt  }
0x72: {  	_ =	shalt  }
0x73: {  	_ =	shalt  }
0x74: {  	_ =	shalt  }
0x75: {  	_ =	shalt  }
0x76: {  	_ =	shalt  }
0x77: {  	_ =	shalt  }
0x78: {  	_ =	shalt  }
0x79: {  	_ =	shalt  }
0x7a: {  	_ =	shalt  }
0x7b: {  	_ =	shalt  }
0x7c: {  	_ =	shalt  }
0x7d: {  	_ =	shalt  }
0x7e: {  	_ =	shalt  }
0x7f: {  	_ =	shalt  }
0x80: {  	_ =	shalt  }
0x81: {  	_ =	shalt  }
0x82: {  	_ =	shalt  }
0x83: {  	_ =	shalt  }
0x84: {  	_ =	shalt  }
0x85: {  	_ =	shalt  }
0x86: {  	_ =	shalt  }
0x87: {  	_ =	shalt  }
.Lfunc_end0:
.L_simem_size_0:
called_computation_lowered:
.L_overlay_start_0:
0x88: {  	s2 =	sld [smem:$0x3FD9]  }
0x89: {  	s3 =	sld [smem:$0x3FFE];
	_ =	sdelay $0x1  }
0x8a: {  	s1 =	srdreg.scid  }
0x8b: {  	s0 =	sand.u32 $0x1, s1  }
0x8c: {  	s16 =	sshll.u32 s0, $0xA;
	s2 =	sadd.s32 s3, s2  }
0x8d: {  	s2 =	sadd.s32 s2, s16  }
0x8e: {  	[smem:$0x3FC0] =	sst s2  }
0x8f: {  	_ = 	snop  }
0x90: {  	(tm) =	ssettm $0x1  }
0x91: {  	s17 =	sld [smem:$0x3FFB];
	_ =	sdelay $0x3  }
0x92: {  	_ =	strace s17  }
0x93: {  	s2 =	sld [smem:$0x3FFC];
	_ =	sdelay $0x3  }
0x94: {  	_ =	strace s2  }
0x95: {  	s2 =	sld [smem:$0x3FFD];
	_ =	sdelay $0x3  }
0x96: {  	_ =	strace s2  }
0x97: {  	_ =	strace $0x8FFFFFFF  }
0x98: {  	s18 =	sld [smem:$0x3FDB];
	_ =	sdelay $0x1  }
0x99: {  	s19 =	simm.s32 $_scs_section_size  }
0x9a: {  	s4 =	simm.s32 $_size__tile_overlayer_lowered;
	s5 =	simm.s32 $_tile_overlayer_lowered  }
0x9b: {  	s22 =	simm.s32 $0x1BFF;
	s21 =	sshll.u32 s5, $0x1;
	s2 =	sadd.s32 s19, s18  }
0x9c: {  	s6 =	simm.s32 $0x0;
	s20 =	sshll.u32 s4, $0x1;
	s4 =	sadd.s32 s21, s2  }
0x9d: {  	[timem:s6], [sflag:s22] =	dma.local [hbm:s4], s20  }
0x9e: {  	_ =	swait.ge [sflag:s22], s20  }
0x9f: {  	s3 =	ssub.s32 $0x0, s20;
	[sflag:s22] =	ssyncset.done $0x0  }
0xa0: {  	[sflag:s22] =	ssyncadd.s32 s3;
	_ =	sdelay $0x1  }
0xa1: {  	s23 =	simm.s32 $0x1B8B  }
0xa2: {  	_ =	swait.ge [sflag:s23], $0x1  }
0xa3: {  	[sflag:s23] =	ssyncset.done $0x0  }
0xa4: {  	s25 =	simm.s32 $0x1B8E;
	s24 =	sld [smem:$0x3FFE];
	[sflag:s23] =	ssyncadd.s32 $0xFFFFFFFF  }
0xa5: {  	s26 =	simm.s32 $execute0_lowered;
	[smem:$0x3FD2] =	sst s25  }
0xa6: {  	s4 =	sshll.u32 s26, $0x1;
	_ =	strace $0x80000046;
	[dreg:$0x1] =	wrdreg $0xFFFFFFFF  }
0xa7: {  	s28 =	simm.s32 $_size_execute0_lowered;
	s2 =	sadd.s32 s2, s4;
	[dreg:$0x0] =	wrdreg $0x0  }
0xa8: {  	s4 =	sshll.u32 s28, $0x1;
	[dreg:$0x2] =	wrdreg s2  }
0xa9: {  	[dreg:$0x3] =	wrdreg s4  }
0xaa: {  	[dreg:$0x4] =	wrdreg $0xC0  }
0xab: {  	_ =	task [dreg:s6], $0x5FFFF  }
0xac: {  	[dreg:$0x1] =	wrdreg $0xFFFFFFFF  }
0xad: {  	[dreg:$0x0] =	wrdreg $0x60  }
0xae: {  	[dreg:$0x2] =	wrdreg s24  }
0xaf: {  	[dreg:$0x3] =	wrdreg $0x9  }
0xb0: {  	_ =	task.clear_ibuf [dreg:s6], $0x4FFFF;
	_ =	strace $0x90000046  }
0xb1: {  	s29 =	simm.s32 $0x9;
	_ =	strace $0x80000048  }
0xb2: {  	_ =	swait.ge [sflag:s29], $0x1  }
0xb3: {  	[sflag:s29] =	ssyncadd.s32 $0xFFFFFFFF  }
0xb4: {  	_ =	strace $0x90000048  }
0xb5: {  	_ =	sfence  }
0xb6: {  	s30 =	sld [smem:$0x0];
	_ =	sdelay $0x2  }
0xb7: {  	s31 =	sshll.u32 s1, $0xD;
	s1 =	sshrl.u32 s1, $0x2  }
0xb8: {  	s3 =	sand.u32 $0x4000, s31;
	s1 =	sadd.s32 s1, s30  }
0xb9: {  	s0 =	sor.u32 s3, s0;
	s1 =	sshll.u32 s1, $0x11  }
0xba: {  	s0 =	sor.u32 s1, s0  }
0xbb: {  	s0 =	sadd.s32 $0x8F2B, s0  }
0xbc: {  	[sflag:s0] =	ssyncadd.remote.s32 $0x1  }
0xbd: {  	_ =	sfence.sel $0xFFFF  }
0xbe: {  	[dreg:$0x0] =	wrdreg $0xFFFFFFFF;
	(pc) =	sbr.abs _section_cstart, $3  }
0xbf: {  	[dreg:$0x1] =	wrdreg $0xFFFFFFFF  }
0xc0: {  	_ =	task.clear_ibuf [dreg:s6], $0x2FFFF;
	_ =	strace $0x9FFFFFFF  }
0xc1: {  	(tm) =	ssettm $0x7FFFFFFF  }
tec
execute0_lowered:
.L_overlay_start_1:
0x0: {  	(tag) =	ssettag $0x1  }
0x1: {  	s1 =	srdreg.scid  }
0x2: {  	s0 =	stileid.u32;
	s5 =	rddreg [dreg:$0x0]  }
0x3: {  	s2 =	simm.s32 $0x0;
	s10 =	simm.s32 $0x80;
	s11 =	simm.s32 $0x1  }
0x4: {  	s12 =	simm.s32 $0x2;
	s6 =	sand.u32 $0x1, s1;
	s3 =	sshll.u32 s0, $0x1  }
0x5: {  	s13 =	simm.s32 $0xD00;
	s14 =	simm.s32 $0x1AD00;
	s3 =	sor.u32 s6, s3  }
0x6: {  	s15 =	simm.s32 $0x0;
	s1 =	rddreg [dreg:$0x1];
	s7 =	smul.u32 $0x3400, s3  }
0x7: {  	[smem:$0x7FF] =	sst s2;
	s4 =	sadd.s32 $0x4C00, s5;
	s8 =	smul.u32 $0x1A0, s3  }
0x8: {  	_ =	strace $0x80000047;
	s6 =	ssub.s32 $0x2, s6;
	s3 =	sadd.s32 $0x27ADC00, s5  }
0x9: {  	s31 =	sshrl.u32 s6, $0x1;
	s7 =	sadd.s32 s7, s5;
	s8 =	sadd.s32 s8, s5  }
0xa: {  	s9 =	ssub.s32 s6, s31;
	s5 =	sadd.s32 $0x1800, s8;
	s6 =	sadd.s32 $0x54200, s7  }
0xb: {  	s7 =	sadd.s32 $0xBC200, s8;
	s8 =	smax.u32 s9, $0x1;
	s9 =	simm.s32 $0x3  }
.LBB2_1:
0xc: {  	[tilespmem:s2], [sflag:$0x3] =	stream.linear.gather [hbm4b:s5+s2], $0xD00, $0x38;
	[tilespmem:$0x1BA00] =	vst v63  }
0xd: {  	_ =	swait.ge [sflag:s9], $0xD00  }
0xe: {  	s18 =	simm.s32 $0x0;
	s16 =	simm.s32 $0x200;
	[sflag:s9] =	ssyncset.done $0x0  }
0xf: {  	s19 =	simm.s32 $0x1AD00;
	s17 =	simm.s32 $0x1D00;
	[sflag:s9] =	ssyncadd.s32 $0xFFFFF300  }
0x10: {  	[tilespmem:s13], [sflag:$0x1] =	stream.indirect.gather [hbm4b:s3+s10], $0x20, s18, s10, $0xb8;
	[tilespmem:$0x1BA00] =	vst v63  }
.LBB2_2:
0x11: {  	[tilespmem:s19], [sflag:$0x2] =	stream.indirect.gather [hbm4b:s4+s10], $0x1, s18, s10, $0xb8;
	[tilespmem:$0x1BA00] =	vst v63  }
0x12: {  	s18 =	smov.u32 s16;
	p0 =	sne.s32 s16, $0x3200  }
.Ltmp0:
0x13: {  	s16 =	sadd.s32 $0x200, s16;
	(pc) =	sbr.rel @p0 .LBB2_2-.Ltmp0, $4  }
0x14: {  	_ = 	snop  }
0x15: {  	s18 =	sshra.s32 s18, $0x2  }
0x16: {  	[tilespmem:s17], [sflag:$0x1] =	stream.indirect.gather [hbm4b:s3+s10], $0x20, s18, s10, $0xb8;
	[tilespmem:$0x1BA00] =	vst v63  }
0x17: {  	s19 =	sadd.s32 $0x1AD00, s18;
	s17 =	sadd.s32 $0x1000, s17  }
0x18: {  	[tilespmem:s19], [sflag:$0x2] =	stream.indirect.gather [hbm4b:s4+s10], $0x1, s18, s10, $0xb8;
	[tilespmem:$0x1BA00] =	vst v63  }
0x19: {  	_ =	swait.ge [sflag:s11], $0x1000  }
0x1a: {  	[sflag:s11] =	ssyncset.done $0x0  }
0x1b: {  	[sflag:s11] =	ssyncadd.s32 $0xFFFFF000  }
0x1c: {  	_ =	swait.ge [sflag:s12], $0x80  }
0x1d: {  	s16 =	simm.s32 $0x19;
	[sflag:s12] =	ssyncset.done $0x0  }
.LBB2_4:
0x1e: {  	p0 =	sne.s32 s16, $0x1;
	s16 =	sadd.s32 $0xFFFFFFFF, s16;
	[sflag:s12] =	ssyncadd.s32 $0xFFFFFF80  }
.Ltmp1:
0x1f: {  	_ =	swait.ge [sflag:s11], $0x1000;
	(pc) =	sbr.rel @p0 .LBB2_4-.Ltmp1, $4  }
0x20: {  	[sflag:s11] =	ssyncset.done $0x0  }
0x21: {  	[sflag:s11] =	ssyncadd.s32 $0xFFFFF000  }
0x22: {  	_ =	swait.ge [sflag:s12], $0x80  }
0x23: {  	[sflag:s12] =	ssyncset.done $0x0  }
0x24: {  	[sflag:s12] =	ssyncadd.s32 $0xFFFFFF80  }
0x25: {  	[hbm4b:s6+s2] =	stream.linear.scatter [tilespmem:s13], [sflag:$0x3], $0x1A000, $0x38;
	[tilespmem:$0x1BA00] =	vst v63  }
0x26: {  	s15 =	sadd.s32 $0x1, s15;
	_ =	swait.ge [sflag:s9], $0x1A000  }
0x27: {  	p0 =	sne.s32 s15, s8;
	[sflag:s9] =	ssyncset.done $0x0  }
.Ltmp2:
0x28: {  	[sflag:s9] =	ssyncadd.s32 $0xFFFE6000;
	(pc) =	sbr.rel @p0 .LBB2_1-.Ltmp2, $4  }
0x29: {  	[hbm4b:s7+s2] =	stream.linear.scatter [tilespmem:s14], [sflag:$0x3], $0xD00, $0x38;
	[tilespmem:$0x1BA00] =	vst v63  }
0x2a: {  	_ =	swait.ge [sflag:s9], $0xD00  }
0x2b: {  	[sflag:s9] =	ssyncset.done $0x0  }
0x2c: {  	[sflag:s9] =	ssyncadd.s32 $0xFFFFF300  }
0x2d: {  	_ =	sfence.sel $0x180000  }
0x2e: {  	[bflag:$0x0] =	sbarrier.arrive $0xFFFF  }
0x2f: {  	p0 =	sne.s32 s0, $0x0;
	_ =	strace $0x90000047  }
0x30: {  	s0 =	sadd.s32 @!p0 $0x100000, s1;
	[bflag:$0x2] =	sbarrier.arrive $0xFFFF  }
0x31: {  	[sflag:s0] =	ssyncadd.tile.s32 @!p0 $0x1;
	_ =	shalt  }
.Lfunc_end2:
_tile_overlayer_lowered:
.L_overlay_start_2:
0x32: {  	(tag) =	ssettag $0x2  }
0x33: {  	s0 =	rddreg [dreg:$0x0];
	s2 =	stileid.u32  }
0x34: {  	s1 =	rddreg [dreg:$0x1];
	p0 =	sne.s32 s2, $0x0  }
0x35: {  	s3 =	rddreg [dreg:$0x2];
	[bflag:$0x3] =	sbarrier.arrive $0xFFFF;
	s2 =	simm.s32 @!p0 $0x1C03  }
0x36: {  	[timem:s3], [sflag:s2] =	dma.local @!p0 [hbm:s0], s1  }
0x37: {  	s0 =	simm.s32 @!p0 $0x3  }
0x38: {  	_ =	swait.ge @!p0 [sflag:s0], s1  }
0x39: {  	s1 =	ssub.s32 @!p0 $0x0, s1;
	[sflag:s0] =	ssyncset.done @!p0 $0x0  }
0x3a: {  	[sflag:s0] =	ssyncadd.s32 @!p0 s1  }
0x3b: {  	[bflag:$0x3] =	sbarrier.arrive $0xFFFF  }
0x3c: {  	_ =	shalt  }

</sc_bundles>
